<compile_context>
chip_gen: v7x
topology: tpu7x:2x2x1
jax: 0.10.2.dev20260603
libtpu: 0.0.44.dev20260713+nightly
codegen_flags: <defaults>
</compile_context>

<pallas_src>
import functools

import jax
import jax.numpy as jnp
from jax import lax
from jax.experimental import pallas as pl
from jax.experimental.pallas import tpu as pltpu
from jax.experimental.pallas import tpu_sc as plsc

HIDDEN = 768
REL = 53
NUM_BAGS = 16
TOTAL = 32768
BAG = TOTAL // NUM_BAGS


def _sweep_kernel(x_ref, k_ref, rel_ref, bias_ref, p_ref, idx_ref):
    b = pl.program_id(0)
    logits = jnp.dot(x_ref[...], rel_ref[...],
                     preferred_element_type=jnp.float32) + bias_ref[...]
    m = jnp.max(logits, axis=1, keepdims=True)
    e = jnp.exp(logits - m)
    p = e / jnp.sum(e, axis=1, keepdims=True)
    p_ref[...] = p
    score = jnp.sum(p * k_ref[...], axis=1, keepdims=True)

    lm = jnp.max(score)
    ids = lax.broadcasted_iota(jnp.int32, (BAG, 1), 0)
    lj = jnp.min(jnp.where(score == lm, ids, BAG))
    idx_ref[b] = b * BAG + lj


def _sc_gather(idx, probs):
    mesh = plsc.VectorSubcoreMesh(core_axis_name="c", subcore_axis_name="s")

    @functools.partial(
        pl.kernel,
        mesh=mesh,
        out_type=jax.ShapeDtypeStruct((NUM_BAGS, REL), jnp.float32),
        scratch_types=[
            pltpu.VMEM((NUM_BAGS,), jnp.int32),
            pltpu.VMEM((REL,), jnp.float32),
        ],
    )
    def gather(idx_hbm, probs_hbm, out_hbm, idx_v, row_v):
        wid = lax.axis_index("s") * 2 + lax.axis_index("c")

        @pl.when(wid < NUM_BAGS)
        def _():
            pltpu.sync_copy(idx_hbm, idx_v)
            iv = idx_v[...]
            j = iv[0]
            for l in range(1, NUM_BAGS):
                j = jnp.where(wid == l, iv[l], j)
            pltpu.sync_copy(probs_hbm.at[j], row_v)
            pltpu.sync_copy(row_v, out_hbm.at[wid])

    return gather(idx, probs)


@jax.jit
def _selector(x, knowledge, rel_mat, bias2d):
    probs, idx = pl.pallas_call(
        _sweep_kernel,
        grid=(NUM_BAGS,),
        in_specs=[
            pl.BlockSpec((BAG, HIDDEN), lambda i: (i, 0)),
            pl.BlockSpec((BAG, REL), lambda i: (i, 0)),
            pl.BlockSpec((HIDDEN, REL), lambda i: (0, 0)),
            pl.BlockSpec((1, REL), lambda i: (0, 0)),
        ],
        out_specs=[
            pl.BlockSpec((BAG, REL), lambda i: (i, 0)),
            pl.BlockSpec(memory_space=pltpu.MemorySpace.SMEM),
        ],
        out_shape=[
            jax.ShapeDtypeStruct((TOTAL, REL), jnp.float32),
            jax.ShapeDtypeStruct((NUM_BAGS,), jnp.int32),
        ],
    )(x, knowledge, rel_mat, bias2d)

    return _sc_gather(idx, probs)


def kernel(x, scope, knowledge, rel_mat, bias):
    del scope
    out = _selector(x, knowledge, rel_mat, bias.reshape(1, REL))
    return out, rel_mat

# --- scband reference (transcript-rebuilt; emitter-appended) ---
"""Pipeline reference for scband-selector-67525475828317 (READ-ONLY COPY).

The authoritative reference and input builder live on the scoring server;
editing this copy changes nothing except your own understanding.
"""

import jax, jax.numpy as jnp
import numpy as np

HIDDEN = 768
REL = 53
B = 16
TOTAL = 32768


def setup_inputs(seed: int = 0) -> dict:
    key = jax.random.key(seed)
    k1, k2, k3, k4 = jax.random.split(key, 4)
    x = jax.random.normal(k1, (TOTAL, HIDDEN), dtype=jnp.float32)
    knowledge = jax.random.uniform(k2, (TOTAL, REL), dtype=jnp.float32)
    # scope: contiguous [start, end) bag boundaries covering all instances
    bounds = np.linspace(0, TOTAL, B + 1).astype(np.int64)
    scope = np.stack([bounds[:-1], bounds[1:]], axis=1)  # int64[B, 2]
    # learned parameters (nn.Parameter in torch)
    rel_mat = jax.random.normal(k3, (HIDDEN, REL), dtype=jnp.float32)
    bias = jax.random.normal(k4, (REL,), dtype=jnp.float32)
    return {"x": x, "scope": scope, "knowledge": knowledge, "rel_mat": rel_mat, "bias": bias}


def reference(x, scope, knowledge, rel_mat, bias):
    num_bags = scope.shape[0]
    bag_size = x.shape[0] // num_bags

    def logit(h):
        return jnp.matmul(h, rel_mat) + bias

    # Config.training == True branch
    bag_repre = []
    for i in range(num_bags):
        s = scope[i, 0]
        bag_hidden_mat = jax.lax.dynamic_slice_in_dim(x, s, bag_size, axis=0)
        bag_knowledge = jax.lax.dynamic_slice_in_dim(knowledge, s, bag_size, axis=0)
        instance_logit = jax.nn.softmax(logit(bag_hidden_mat), axis=1)
        instance_logit = (instance_logit * bag_knowledge).sum(axis=1)
        j = jnp.argmax(instance_logit, axis=0)
        bag_repre.append(bag_hidden_mat[j])
    bag_repre = jnp.stack(bag_repre)
    return jax.nn.softmax(logit(bag_repre), axis=1), rel_mat

if __name__ == "__main__":
    import jax
    _d = setup_inputs()
    print(jax.jit(kernel)(*tuple(_d.values())))

</pallas_src>

<mosaic_0001>
#map = affine_map<(d0, d1) -> (0)>
#map1 = affine_map<(d0, d1) -> (0, 0)>
module attributes {stable_mosaic.version = 14 : i64} {
  func.func @gather(%arg0: i32, %arg1: i32, %arg2: memref<16xi32, #tpu.memory_space<hbm>>, %arg3: memref<32768x53xf32, #tpu.memory_space<hbm>>, %arg4: memref<16x53xf32, #tpu.memory_space<hbm>>, %arg5: memref<16xi32, #tpu.memory_space<vmem>>, %arg6: memref<53xf32, #tpu.memory_space<vmem>>) attributes {dimension_semantics = [#tpu.dimension_semantics<core_parallel>, #tpu.dimension_semantics<subcore_parallel>], iteration_bounds = array<i64: 2, 16>, scalar_prefetch = 0 : i64, scratch_operands = 2 : i64, tpu.core_type = #tpu.core_type<sc_vector_subcore>, window_params = [{transform_indices = #map}, {transform_indices = #map1}, {transform_indices = #map1}]} {
    %mul3A = arith.constant 2 : i32
    %mul3A_0 = arith.muli %arg1, %mul3A : i32
    %add3A = arith.addi %mul3A_0, %arg0 : i32
    %lt3A = arith.constant 16 : i32
    %lt3A_1 = arith.cmpi slt, %add3A, %lt3A : i32
    %convert_element_type3A = arith.extui %lt3A_1 : i1 to i32
    %cond3A = arith.constant 0 : i32
    %cond3A_2 = arith.cmpi ne, %convert_element_type3A, %cond3A : i32
    scf.if %cond3A_2 {
      "tpu.region"() ({
        %run_scoped3A = tpu.sem_alloc : memref<!tpu.dma_semaphore, #tpu.memory_space<semaphore_mem>>
        tpu.enqueue_dma source(%arg2 : memref<16xi32, #tpu.memory_space<hbm>>) target(%arg5 : memref<16xi32, #tpu.memory_space<vmem>>) target_semaphore(%run_scoped3A : memref<!tpu.dma_semaphore, #tpu.memory_space<semaphore_mem>>)
        tpu.wait_dma2 semaphore(%run_scoped3A : memref<!tpu.dma_semaphore, #tpu.memory_space<semaphore_mem>>) src(%arg2 : memref<16xi32, #tpu.memory_space<hbm>>) dst(%arg5 : memref<16xi32, #tpu.memory_space<vmem>>)
        tpu.yield
      }) : () -> ()
      %get3A = arith.constant 0 : index
      %get3A_3 = tpu.vector_load %arg5[%get3A] {strides = array<i32>} : memref<16xi32, #tpu.memory_space<vmem>>, vector<16xi32>,
      %get3A_4 = vector.shape_cast %get3A_3 : vector<16xi32> to vector<16xi32>
      %slice3A = vector.extract_strided_slice %get3A_4 {offsets = [0], sizes = [1], strides = [1]} : vector<16xi32> to vector<1xi32>
      %squeeze3A = vector.extract %slice3A[0] : i32 from vector<1xi32>
      %eq3A = arith.constant 1 : i32
      %eq3A_5 = arith.cmpi eq, %add3A, %eq3A : i32
      %slice3A_6 = vector.extract_strided_slice %get3A_4 {offsets = [1], sizes = [1], strides = [1]} : vector<16xi32> to vector<1xi32>
      %squeeze3A_7 = vector.extract %slice3A_6[0] : i32 from vector<1xi32>
      %select_n3A = arith.select %eq3A_5, %squeeze3A_7, %squeeze3A : i32
      %eq3A_8 = arith.constant 2 : i32
      %eq3A_9 = arith.cmpi eq, %add3A, %eq3A_8 : i32
      %slice3A_10 = vector.extract_strided_slice %get3A_4 {offsets = [2], sizes = [1], strides = [1]} : vector<16xi32> to vector<1xi32>
      %squeeze3A_11 = vector.extract %slice3A_10[0] : i32 from vector<1xi32>
      %select_n3A_12 = arith.select %eq3A_9, %squeeze3A_11, %select_n3A : i32
      %eq3A_13 = arith.constant 3 : i32
      %eq3A_14 = arith.cmpi eq, %add3A, %eq3A_13 : i32
      %slice3A_15 = vector.extract_strided_slice %get3A_4 {offsets = [3], sizes = [1], strides = [1]} : vector<16xi32> to vector<1xi32>
      %squeeze3A_16 = vector.extract %slice3A_15[0] : i32 from vector<1xi32>
      %select_n3A_17 = arith.select %eq3A_14, %squeeze3A_16, %select_n3A_12 : i32
      %eq3A_18 = arith.constant 4 : i32
      %eq3A_19 = arith.cmpi eq, %add3A, %eq3A_18 : i32
      %slice3A_20 = vector.extract_strided_slice %get3A_4 {offsets = [4], sizes = [1], strides = [1]} : vector<16xi32> to vector<1xi32>
      %squeeze3A_21 = vector.extract %slice3A_20[0] : i32 from vector<1xi32>
      %select_n3A_22 = arith.select %eq3A_19, %squeeze3A_21, %select_n3A_17 : i32
      %eq3A_23 = arith.constant 5 : i32
      %eq3A_24 = arith.cmpi eq, %add3A, %eq3A_23 : i32
      %slice3A_25 = vector.extract_strided_slice %get3A_4 {offsets = [5], sizes = [1], strides = [1]} : vector<16xi32> to vector<1xi32>
      %squeeze3A_26 = vector.extract %slice3A_25[0] : i32 from vector<1xi32>
      %select_n3A_27 = arith.select %eq3A_24, %squeeze3A_26, %select_n3A_22 : i32
      %eq3A_28 = arith.constant 6 : i32
      %eq3A_29 = arith.cmpi eq, %add3A, %eq3A_28 : i32
      %slice3A_30 = vector.extract_strided_slice %get3A_4 {offsets = [6], sizes = [1], strides = [1]} : vector<16xi32> to vector<1xi32>
      %squeeze3A_31 = vector.extract %slice3A_30[0] : i32 from vector<1xi32>
      %select_n3A_32 = arith.select %eq3A_29, %squeeze3A_31, %select_n3A_27 : i32
      %eq3A_33 = arith.constant 7 : i32
      %eq3A_34 = arith.cmpi eq, %add3A, %eq3A_33 : i32
      %slice3A_35 = vector.extract_strided_slice %get3A_4 {offsets = [7], sizes = [1], strides = [1]} : vector<16xi32> to vector<1xi32>
      %squeeze3A_36 = vector.extract %slice3A_35[0] : i32 from vector<1xi32>
      %select_n3A_37 = arith.select %eq3A_34, %squeeze3A_36, %select_n3A_32 : i32
      %eq3A_38 = arith.constant 8 : i32
      %eq3A_39 = arith.cmpi eq, %add3A, %eq3A_38 : i32
      %slice3A_40 = vector.extract_strided_slice %get3A_4 {offsets = [8], sizes = [1], strides = [1]} : vector<16xi32> to vector<1xi32>
      %squeeze3A_41 = vector.extract %slice3A_40[0] : i32 from vector<1xi32>
      %select_n3A_42 = arith.select %eq3A_39, %squeeze3A_41, %select_n3A_37 : i32
      %eq3A_43 = arith.constant 9 : i32
      %eq3A_44 = arith.cmpi eq, %add3A, %eq3A_43 : i32
      %slice3A_45 = vector.extract_strided_slice %get3A_4 {offsets = [9], sizes = [1], strides = [1]} : vector<16xi32> to vector<1xi32>
      %squeeze3A_46 = vector.extract %slice3A_45[0] : i32 from vector<1xi32>
      %select_n3A_47 = arith.select %eq3A_44, %squeeze3A_46, %select_n3A_42 : i32
      %eq3A_48 = arith.constant 10 : i32
      %eq3A_49 = arith.cmpi eq, %add3A, %eq3A_48 : i32
      %slice3A_50 = vector.extract_strided_slice %get3A_4 {offsets = [10], sizes = [1], strides = [1]} : vector<16xi32> to vector<1xi32>
      %squeeze3A_51 = vector.extract %slice3A_50[0] : i32 from vector<1xi32>
      %select_n3A_52 = arith.select %eq3A_49, %squeeze3A_51, %select_n3A_47 : i32
      %eq3A_53 = arith.constant 11 : i32
      %eq3A_54 = arith.cmpi eq, %add3A, %eq3A_53 : i32
      %slice3A_55 = vector.extract_strided_slice %get3A_4 {offsets = [11], sizes = [1], strides = [1]} : vector<16xi32> to vector<1xi32>
      %squeeze3A_56 = vector.extract %slice3A_55[0] : i32 from vector<1xi32>
      %select_n3A_57 = arith.select %eq3A_54, %squeeze3A_56, %select_n3A_52 : i32
      %eq3A_58 = arith.constant 12 : i32
      %eq3A_59 = arith.cmpi eq, %add3A, %eq3A_58 : i32
      %slice3A_60 = vector.extract_strided_slice %get3A_4 {offsets = [12], sizes = [1], strides = [1]} : vector<16xi32> to vector<1xi32>
      %squeeze3A_61 = vector.extract %slice3A_60[0] : i32 from vector<1xi32>
      %select_n3A_62 = arith.select %eq3A_59, %squeeze3A_61, %select_n3A_57 : i32
      %eq3A_63 = arith.constant 13 : i32
      %eq3A_64 = arith.cmpi eq, %add3A, %eq3A_63 : i32
      %slice3A_65 = vector.extract_strided_slice %get3A_4 {offsets = [13], sizes = [1], strides = [1]} : vector<16xi32> to vector<1xi32>
      %squeeze3A_66 = vector.extract %slice3A_65[0] : i32 from vector<1xi32>
      %select_n3A_67 = arith.select %eq3A_64, %squeeze3A_66, %select_n3A_62 : i32
      %eq3A_68 = arith.constant 14 : i32
      %eq3A_69 = arith.cmpi eq, %add3A, %eq3A_68 : i32
      %slice3A_70 = vector.extract_strided_slice %get3A_4 {offsets = [14], sizes = [1], strides = [1]} : vector<16xi32> to vector<1xi32>
      %squeeze3A_71 = vector.extract %slice3A_70[0] : i32 from vector<1xi32>
      %select_n3A_72 = arith.select %eq3A_69, %squeeze3A_71, %select_n3A_67 : i32
      %eq3A_73 = arith.constant 15 : i32
      %eq3A_74 = arith.cmpi eq, %add3A, %eq3A_73 : i32
      %slice3A_75 = vector.extract_strided_slice %get3A_4 {offsets = [15], sizes = [1], strides = [1]} : vector<16xi32> to vector<1xi32>
      %squeeze3A_76 = vector.extract %slice3A_75[0] : i32 from vector<1xi32>
      %select_n3A_77 = arith.select %eq3A_74, %squeeze3A_76, %select_n3A_72 : i32
      "tpu.region"() ({
        %run_scoped3A = tpu.sem_alloc : memref<!tpu.dma_semaphore, #tpu.memory_space<semaphore_mem>>
        %dma_start3A = arith.constant 0 : i32
        %dma_start3A_78 = tpu.memref_slice %arg3[%select_n3A_77, %dma_start3A] : memref<32768x53xf32, #tpu.memory_space<hbm>> -> memref<1x53xf32, #tpu.memory_space<hbm>>
        %dma_start3A_79 = tpu.memref_squeeze %dma_start3A_78 : memref<1x53xf32, #tpu.memory_space<hbm>> -> memref<53xf32, #tpu.memory_space<hbm>>
        %dma_start3A_80 = arith.constant 0 : i32
        %dma_start3A_81 = tpu.memref_slice %arg3[%select_n3A_77, %dma_start3A_80] : memref<32768x53xf32, #tpu.memory_space<hbm>> -> memref<1x53xf32, #tpu.memory_space<hbm>>
        %dma_start3A_82 = tpu.memref_squeeze %dma_start3A_81 : memref<1x53xf32, #tpu.memory_space<hbm>> -> memref<53xf32, #tpu.memory_space<hbm>>
        tpu.enqueue_dma source(%dma_start3A_82 : memref<53xf32, #tpu.memory_space<hbm>>) target(%arg6 : memref<53xf32, #tpu.memory_space<vmem>>) target_semaphore(%run_scoped3A : memref<!tpu.dma_semaphore, #tpu.memory_space<semaphore_mem>>)
        %dma_wait3A = arith.constant 0 : i32
        %dma_wait3A_83 = tpu.memref_slice %arg3[%select_n3A_77, %dma_wait3A] : memref<32768x53xf32, #tpu.memory_space<hbm>> -> memref<1x53xf32, #tpu.memory_space<hbm>>
        %dma_wait3A_84 = tpu.memref_squeeze %dma_wait3A_83 : memref<1x53xf32, #tpu.memory_space<hbm>> -> memref<53xf32, #tpu.memory_space<hbm>>
        %dma_wait3A_85 = arith.constant 0 : i32
        %dma_wait3A_86 = tpu.memref_slice %arg3[%select_n3A_77, %dma_wait3A_85] : memref<32768x53xf32, #tpu.memory_space<hbm>> -> memref<1x53xf32, #tpu.memory_space<hbm>>
        %dma_wait3A_87 = tpu.memref_squeeze %dma_wait3A_86 : memref<1x53xf32, #tpu.memory_space<hbm>> -> memref<53xf32, #tpu.memory_space<hbm>>
        tpu.wait_dma2 semaphore(%run_scoped3A : memref<!tpu.dma_semaphore, #tpu.memory_space<semaphore_mem>>) src(%dma_wait3A_87 : memref<53xf32, #tpu.memory_space<hbm>>) dst(%arg6 : memref<53xf32, #tpu.memory_space<vmem>>)
        tpu.yield
      }) : () -> ()
      "tpu.region"() ({
        %run_scoped3A = tpu.sem_alloc : memref<!tpu.dma_semaphore, #tpu.memory_space<semaphore_mem>>
        %dma_start3A = arith.constant 0 : i32
        %dma_start3A_78 = tpu.memref_slice %arg4[%add3A, %dma_start3A] : memref<16x53xf32, #tpu.memory_space<hbm>> -> memref<1x53xf32, #tpu.memory_space<hbm>>
        %dma_start3A_79 = tpu.memref_squeeze %dma_start3A_78 : memref<1x53xf32, #tpu.memory_space<hbm>> -> memref<53xf32, #tpu.memory_space<hbm>>
        %dma_start3A_80 = arith.constant 0 : i32
        %dma_start3A_81 = tpu.memref_slice %arg4[%add3A, %dma_start3A_80] : memref<16x53xf32, #tpu.memory_space<hbm>> -> memref<1x53xf32, #tpu.memory_space<hbm>>
        %dma_start3A_82 = tpu.memref_squeeze %dma_start3A_81 : memref<1x53xf32, #tpu.memory_space<hbm>> -> memref<53xf32, #tpu.memory_space<hbm>>
        tpu.enqueue_dma source(%arg6 : memref<53xf32, #tpu.memory_space<vmem>>) target(%dma_start3A_82 : memref<53xf32, #tpu.memory_space<hbm>>) target_semaphore(%run_scoped3A : memref<!tpu.dma_semaphore, #tpu.memory_space<semaphore_mem>>)
        %dma_wait3A = arith.constant 0 : i32
        %dma_wait3A_83 = tpu.memref_slice %arg4[%add3A, %dma_wait3A] : memref<16x53xf32, #tpu.memory_space<hbm>> -> memref<1x53xf32, #tpu.memory_space<hbm>>
        %dma_wait3A_84 = tpu.memref_squeeze %dma_wait3A_83 : memref<1x53xf32, #tpu.memory_space<hbm>> -> memref<53xf32, #tpu.memory_space<hbm>>
        %dma_wait3A_85 = arith.constant 0 : i32
        %dma_wait3A_86 = tpu.memref_slice %arg4[%add3A, %dma_wait3A_85] : memref<16x53xf32, #tpu.memory_space<hbm>> -> memref<1x53xf32, #tpu.memory_space<hbm>>
        %dma_wait3A_87 = tpu.memref_squeeze %dma_wait3A_86 : memref<1x53xf32, #tpu.memory_space<hbm>> -> memref<53xf32, #tpu.memory_space<hbm>>
        tpu.wait_dma2 semaphore(%run_scoped3A : memref<!tpu.dma_semaphore, #tpu.memory_space<semaphore_mem>>) src(%arg6 : memref<53xf32, #tpu.memory_space<vmem>>) dst(%dma_wait3A_87 : memref<53xf32, #tpu.memory_space<hbm>>)
        tpu.yield
      }) : () -> ()
    } else {
    }
    return
  }
}

module attributes {stable_mosaic.version = 14 : i64} {
  func.func @_sweep_kernel(%arg0: i32, %arg1: memref<2048x768xf32, #tpu.memory_space<vmem>>, %arg2: memref<2048x53xf32, #tpu.memory_space<vmem>>, %arg3: memref<768x53xf32, #tpu.memory_space<vmem>>, %arg4: memref<1x53xf32, #tpu.memory_space<vmem>>, %arg5: memref<2048x53xf32, #tpu.memory_space<vmem>>, %arg6: memref<16xi32, #tpu.memory_space<smem>>) attributes {dimension_semantics = [#tpu.dimension_semantics<arbitrary>], iteration_bounds = array<i64: 16>, scalar_prefetch = 0 : i64, scratch_operands = 0 : i64, tpu.core_type = #tpu.core_type<tc>, window_params = [{transform_indices = @transform_0, window_bounds = array<i64: 2048, 768>}, {transform_indices = @transform_1, window_bounds = array<i64: 2048, 53>}, {pipeline_mode = #tpu.pipeline_mode<synchronous>, transform_indices = @transform_2, window_bounds = array<i64: 768, 53>}, {pipeline_mode = #tpu.pipeline_mode<synchronous>, transform_indices = @transform_3, window_bounds = array<i64: 1, 53>}, {transform_indices = @transform_4, window_bounds = array<i64: 2048, 53>}, {transform_indices = @transform_5, window_bounds = array<i64: 16>}]} {
    %get3A = arith.constant 0 : index
    %get3A_0 = arith.constant 0 : index
    %get3A_1 = vector.load %arg1[%get3A, %get3A_0] : memref<2048x768xf32, #tpu.memory_space<vmem>>, vector<2048x768xf32>
    %get3A_2 = arith.constant 0 : index
    %get3A_3 = arith.constant 0 : index
    %get3A_4 = vector.load %arg3[%get3A_2, %get3A_3] : memref<768x53xf32, #tpu.memory_space<vmem>>, vector<768x53xf32>
    %dot_general3A = arith.constant dense<0.000000e+00> : vector<2048x53xf32>
    %dot_general3A_5 = tpu.matmul %get3A_1, %get3A_4, %dot_general3A {dimension_numbers = #tpu.dot_dimension_numbers<[1], [0], [0], [1], [0, 0, 1, 1], [], []>, transpose_lhs_hint = false} : vector<2048x768xf32>, vector<768x53xf32>, vector<2048x53xf32> -> vector<2048x53xf32>
    %get3A_6 = arith.constant 0 : index
    %get3A_7 = arith.constant 0 : index
    %get3A_8 = vector.load %arg4[%get3A_6, %get3A_7] : memref<1x53xf32, #tpu.memory_space<vmem>>, vector<1x53xf32>
    %add3A = vector.broadcast %get3A_8 : vector<1x53xf32> to vector<2048x53xf32>
    %add3A_9 = arith.addf %dot_general3A_5, %add3A : vector<2048x53xf32>
    %reduce_max3A = arith.constant dense<0xFF800000> : vector<2048xf32>
    %reduce_max3A_10 = vector.multi_reduction <maximumf>, %add3A_9, %reduce_max3A [1] : vector<2048x53xf32> to vector<2048xf32>
    %broadcast_in_dim3A = vector.shape_cast %reduce_max3A_10 : vector<2048xf32> to vector<2048x1xf32>
    %sub3A = vector.broadcast %broadcast_in_dim3A : vector<2048x1xf32> to vector<2048x53xf32>
    %sub3A_11 = arith.subf %add3A_9, %sub3A : vector<2048x53xf32>
    %exp3A = math.exp %sub3A_11 : vector<2048x53xf32>
    %reduce_sum3A = arith.constant dense<0.000000e+00> : vector<2048xf32>
    %reduce_sum3A_12 = vector.multi_reduction <add>, %exp3A, %reduce_sum3A [1] : vector<2048x53xf32> to vector<2048xf32>
    %broadcast_in_dim3A_13 = vector.shape_cast %reduce_sum3A_12 : vector<2048xf32> to vector<2048x1xf32>
    %div3A = vector.broadcast %broadcast_in_dim3A_13 : vector<2048x1xf32> to vector<2048x53xf32>
    %div3A_14 = arith.divf %exp3A, %div3A : vector<2048x53xf32>
    %swap3A = arith.constant 0 : index
    %swap3A_15 = arith.constant 0 : index
    %swap3A_16 = vector.load %arg5[%swap3A, %swap3A_15] : memref<2048x53xf32, #tpu.memory_space<vmem>>, vector<2048x53xf32>
    tpu.vector_store %arg5[%swap3A, %swap3A_15], %div3A_14 {strides = array<i32>} : memref<2048x53xf32, #tpu.memory_space<vmem>>, vector<2048x53xf32>,
    %get3A_17 = arith.constant 0 : index
    %get3A_18 = arith.constant 0 : index
    %get3A_19 = vector.load %arg2[%get3A_17, %get3A_18] : memref<2048x53xf32, #tpu.memory_space<vmem>>, vector<2048x53xf32>
    %mul3A = arith.mulf %div3A_14, %get3A_19 : vector<2048x53xf32>
    %reduce_sum3A_20 = arith.constant dense<0.000000e+00> : vector<2048xf32>
    %reduce_sum3A_21 = vector.multi_reduction <add>, %mul3A, %reduce_sum3A_20 [1] : vector<2048x53xf32> to vector<2048xf32>
    %broadcast_in_dim3A_22 = vector.shape_cast %reduce_sum3A_21 : vector<2048xf32> to vector<2048x1xf32>
    %reduce_max3A_23 = vector.shape_cast %broadcast_in_dim3A_22 : vector<2048x1xf32> to vector<1x2048x1xf32>
    %reduce_max3A_24 = arith.constant dense<0xFF800000> : vector<1xf32>
    %reduce_max3A_25 = vector.multi_reduction <maximumf>, %reduce_max3A_23, %reduce_max3A_24 [1, 2] : vector<1x2048x1xf32> to vector<1xf32>
    %reduce_max3A_26 = vector.shape_cast %reduce_max3A_25 : vector<1xf32> to vector<1x1x1xf32>
    %reduce_max3A_27 = vector.extract %reduce_max3A_26[0, 0, 0] : f32 from vector<1x1x1xf32>
    %iota3A = tpu.iota {dimensions = array<i32: 0>} : vector<2048x1xi32>
    %eq3A = vector.broadcast %reduce_max3A_27 : f32 to vector<2048x1xf32>
    %eq3A_28 = arith.cmpf oeq, %broadcast_in_dim3A_22, %eq3A : vector<2048x1xf32>
    %jit3A = arith.constant 2048 : i32
    %broadcast_in_dim3A_29 = vector.broadcast %jit3A : i32 to vector<2048x1xi32>
    %select_n3A = arith.select %eq3A_28, %iota3A, %broadcast_in_dim3A_29 : vector<2048x1xi1>, vector<2048x1xi32>
    %reduce_min3A = vector.shape_cast %select_n3A : vector<2048x1xi32> to vector<1x2048x1xi32>
    %reduce_min3A_30 = arith.constant dense<2147483647> : vector<1xi32>
    %reduce_min3A_31 = vector.multi_reduction <minsi>, %reduce_min3A, %reduce_min3A_30 [1, 2] : vector<1x2048x1xi32> to vector<1xi32>
    %reduce_min3A_32 = vector.shape_cast %reduce_min3A_31 : vector<1xi32> to vector<1x1x1xi32>
    %reduce_min3A_33 = vector.extract %reduce_min3A_32[0, 0, 0] : i32 from vector<1x1x1xi32>
    %mul3A_34 = arith.constant 2048 : i32
    %mul3A_35 = arith.muli %arg0, %mul3A_34 : i32
    %add3A_36 = arith.addi %mul3A_35, %reduce_min3A_33 : i32
    %swap3A_37 = arith.index_cast %arg0 : i32 to index
    %swap3A_38 = memref.load %arg6[%swap3A_37] : memref<16xi32, #tpu.memory_space<smem>>
    memref.store %add3A_36, %arg6[%swap3A_37] : memref<16xi32, #tpu.memory_space<smem>>
    return
  }
  func.func @transform_0(%arg0: i32) -> (i32, i32) {
    %c0_i32 = arith.constant 0 : i32
    %c0_i32_0 = arith.constant 0 : i32
    return %arg0, %c0_i32 : i32, i32
  }
  func.func @transform_1(%arg0: i32) -> (i32, i32) {
    %c0_i32 = arith.constant 0 : i32
    %c0_i32_0 = arith.constant 0 : i32
    return %arg0, %c0_i32 : i32, i32
  }
  func.func @transform_2(%arg0: i32) -> (i32, i32) {
    %c0_i32 = arith.constant 0 : i32
    %c0_i32_0 = arith.constant 0 : i32
    %c0_i32_1 = arith.constant 0 : i32
    return %c0_i32, %c0_i32_0 : i32, i32
  }
  func.func @transform_3(%arg0: i32) -> (i32, i32) {
    %c0_i32 = arith.constant 0 : i32
    %c0_i32_0 = arith.constant 0 : i32
    %c0_i32_1 = arith.constant 0 : i32
    return %c0_i32, %c0_i32_0 : i32, i32
  }
  func.func @transform_4(%arg0: i32) -> (i32, i32) {
    %c0_i32 = arith.constant 0 : i32
    %c0_i32_0 = arith.constant 0 : i32
    return %arg0, %c0_i32 : i32, i32
  }
  func.func @transform_5(%arg0: i32) -> i32 {
    %c0_i32 = arith.constant 0 : i32
    %c0_i32_0 = arith.constant 0 : i32
    return %c0_i32 : i32
  }
}

</mosaic_0001>

<sc_bundles>
// kernel: _selector.4.cloned.1.call-start
scs
__scs_entry_jumppad:
0x0: {  	(pc) =	sbr.rel $0x88, $3  }
0x1: {  	(tag) =	ssettag $0x0;
	lr =	simm.s32 $0x1  }
0x2: {  	[smem:$0x3F9D] =	sst lr;
	_ =	strace $0xD0000000  }
0x3: {  	_ = 	snop  }
0x4: {  	_ = 	snop  }
0x5: {  	_ = 	snop  }
0x6: {  	_ = 	snop  }
0x7: {  	_ = 	snop  }
__scs_overlays_trampoline_lowered:
0x8: {  	[smem:$0x3FAC] =	sst s0  }
0x9: {  	[smem:$0x3FAD] =	sst s1  }
0xa: {  	[smem:$0x3FAE] =	sst s2  }
0xb: {  	[smem:$0x3FAF] =	sst s3  }
0xc: {  	[smem:$0x3FB0] =	sst s4  }
0xd: {  	[smem:$0x3FB1] =	sst s5  }
0xe: {  	[smem:$0x3FB2] =	sst s6  }
0xf: {  	[smem:$0x3FB3] =	sst s7  }
0x10: {  	[smem:$0x3FB4] =	sst s8  }
0x11: {  	[smem:$0x3FB5] =	sst s9;
	s0 =	simm.s32 @!p0 $0x0  }
0x12: {  	s1 =	sld [smem:$0x3F9B];
	s0 =	simm.s32 @p0 $0x1  }
0x13: {  	[smem:$0x3FB6] =	sst s0;
	s0 =	simm.s32 @!p1 $0x0  }
0x14: {  	s2 =	sld [smem:$0x3F9A];
	s0 =	simm.s32 @p1 $0x1  }
0x15: {  	[smem:$0x3FB7] =	sst s0;
	s0 =	simm.s32 @!p2 $0x0  }
0x16: {  	s3 =	sld [smem:$0x3FDB];
	s0 =	simm.s32 @p2 $0x1  }
0x17: {  	s4 =	simm.s32 $0x1BF5;
	[smem:$0x3FB9] =	sst s0  }
0x18: {  	s0 =	sld [smem:$0x3F9C];
	_ =	swait.ge [sflag:s4], $0x0  }
0x19: {  	s7 =	sld [smem:$0x3F9D]  }
0x1a: {  	s8 =	sadd.s32 $0xFFFFE003, lr  }
0x1b: {  	s9 =	sadd.s32 $0xFFFFFEF7, lr;
	s5 =	simm.s32 $0xFFFFFFFF;
	p2 =	slt.u32 s8, $0xFFFFF086  }
0x1c: {  	p1 =	slt.u32 s9, $0xF7A;
	s5 =	simm.s32 @!p2 $0x0  }
0x1d: {  	s5 =	simm.s32 @p1 $0x1;
	p0 =	seq.s32 s7, s2  }
0x1e: {  	s7 =	smul.u32 @!p0 $0xF7A, s2;
	p2 =	seq.s32 @!p0 s5, $0x0  }
0x1f: {  	s9 =	smul.u32 $0xF7A, s1;
	s8 =	simm.s32 @!p0 $0x1BF5;
	p2 =	por !p2, p0  }
0x20: {  	[sflag:s8] =	ssyncset.s32 @!p0 $0xFFFFF086;
	s6 =	sadd.s32 @!p0 s3, s7;
	s7 =	simm.s32 @!p0 $0x108  }
0x21: {  	s3 =	sadd.s32 s3, s9;
	s6 =	sadd.s32 @!p0 $0x88, s6;
	s7 =	simm.s32 @p2 $0x1082  }
0x22: {  	[simem:s7], [sflag:s8] =	dma.local @!p0 [hbm:s6], $0xF7A  }
0x23: {  	s9 =	sor.u32 $0xD0000000, s2;
	s6 =	simm.s32 $0x108;
	_ =	swait.ge @!p0 [sflag:s8], $0x0  }
0x24: {  	s3 =	sadd.s32 $0x88, s3;
	s6 =	simm.s32 @!p1 $0x1082;
	[sflag:s4] =	ssyncset.s32 $0xFFFFF086  }
0x25: {  	[simem:s6], [sflag:s4] =	dma.local [hbm:s3], $0xF7A  }
0x26: {  	[smem:$0x3F9D] =	sst s1;
	(tag) =	ssettag s2;
	_ =	strace s9  }
0x27: {  	s1 =	sld [smem:$0x3FAD]  }
0x28: {  	s2 =	sld [smem:$0x3FAE]  }
0x29: {  	s4 =	sld [smem:$0x3FB0]  }
0x2a: {  	p0 =	seq.s32 s5, $0x0;
	s5 =	sld [smem:$0x3FB1]  }
0x2b: {  	s6 =	sld [smem:$0x3FB2]  }
0x2c: {  	s7 =	sld [smem:$0x3FB3]  }
0x2d: {  	s3 =	simm.s32 $0x108;
	s8 =	sld [smem:$0x3FB4]  }
0x2e: {  	s3 =	simm.s32 @!p0 $0x1082;
	s9 =	sld [smem:$0x3FB5]  }
0x2f: {  	lr =	sadd.s32 s0, s3;
	s0 =	sld [smem:$0x3FAC]  }
0x30: {  	s3 =	sld [smem:$0x3FAF]  }
0x31: {  	[smem:$0x3FB8] =	sst s10  }
0x32: {  	s10 =	sld [smem:$0x3FB6];
	_ =	sdelay $0x3  }
0x33: {  	p0 =	seq.s32 s10, $0x1;
	s10 =	sld [smem:$0x3FB8];
	_ =	sdelay $0x3  }
0x34: {  	[smem:$0x3FB8] =	sst s10  }
0x35: {  	s10 =	sld [smem:$0x3FB7];
	_ =	sdelay $0x3  }
0x36: {  	p1 =	seq.s32 s10, $0x1;
	s10 =	sld [smem:$0x3FB8];
	_ =	sdelay $0x3  }
0x37: {  	[smem:$0x3FB8] =	sst s10  }
0x38: {  	s10 =	sld [smem:$0x3FB9]  }
0x39: {  	_ = 	snop;
	(pc) =	sbr.ind lr, $3  }
0x3a: {  	_ = 	snop  }
0x3b: {  	_ = 	snop  }
0x3c: {  	p2 =	seq.s32 s10, $0x1;
	s10 =	sld [smem:$0x3FB8]  }
0x3d: {  	_ =	shalt  }
0x3e: {  	_ =	shalt  }
0x3f: {  	_ =	shalt  }
0x40: {  	_ =	shalt  }
0x41: {  	_ =	shalt  }
0x42: {  	_ =	shalt  }
0x43: {  	_ =	shalt  }
0x44: {  	_ =	shalt  }
0x45: {  	_ =	shalt  }
0x46: {  	_ =	shalt  }
0x47: {  	_ =	shalt  }
0x48: {  	_ =	shalt  }
0x49: {  	_ =	shalt  }
0x4a: {  	_ =	shalt  }
0x4b: {  	_ =	shalt  }
0x4c: {  	_ =	shalt  }
0x4d: {  	_ =	shalt  }
0x4e: {  	_ =	shalt  }
0x4f: {  	_ =	shalt  }
0x50: {  	_ =	shalt  }
0x51: {  	_ =	shalt  }
0x52: {  	_ =	shalt  }
0x53: {  	_ =	shalt  }
0x54: {  	_ =	shalt  }
0x55: {  	_ =	shalt  }
0x56: {  	_ =	shalt  }
0x57: {  	_ =	shalt  }
0x58: {  	_ =	shalt  }
0x59: {  	_ =	shalt  }
0x5a: {  	_ =	shalt  }
0x5b: {  	_ =	shalt  }
0x5c: {  	_ =	shalt  }
0x5d: {  	_ =	shalt  }
0x5e: {  	_ =	shalt  }
0x5f: {  	_ =	shalt  }
0x60: {  	_ =	shalt  }
0x61: {  	_ =	shalt  }
0x62: {  	_ =	shalt  }
0x63: {  	_ =	shalt  }
0x64: {  	_ =	shalt  }
0x65: {  	_ =	shalt  }
0x66: {  	_ =	shalt  }
0x67: {  	_ =	shalt  }
0x68: {  	_ =	shalt  }
0x69: {  	_ =	shalt  }
0x6a: {  	_ =	shalt  }
0x6b: {  	_ =	shalt  }
0x6c: {  	_ =	shalt  }
0x6d: {  	_ =	shalt  }
0x6e: {  	_ =	shalt  }
0x6f: {  	_ =	shalt  }
0x70: {  	_ =	shalt  }
0x71: {  	_ =	shalt  }
0x72: {  	_ =	shalt  }
0x73: {  	_ =	shalt  }
0x74: {  	_ =	shalt  }
0x75: {  	_ =	shalt  }
0x76: {  	_ =	shalt  }
0x77: {  	_ =	shalt  }
0x78: {  	_ =	shalt  }
0x79: {  	_ =	shalt  }
0x7a: {  	_ =	shalt  }
0x7b: {  	_ =	shalt  }
0x7c: {  	_ =	shalt  }
0x7d: {  	_ =	shalt  }
0x7e: {  	_ =	shalt  }
0x7f: {  	_ =	shalt  }
0x80: {  	_ =	shalt  }
0x81: {  	_ =	shalt  }
0x82: {  	_ =	shalt  }
0x83: {  	_ =	shalt  }
0x84: {  	_ =	shalt  }
0x85: {  	_ =	shalt  }
0x86: {  	_ =	shalt  }
0x87: {  	_ =	shalt  }
.Lfunc_end0:
.L_simem_size_0:
called_computation_lowered:
.L_overlay_start_0:
0x88: {  	s2 =	sld [smem:$0x3FD9]  }
0x89: {  	s3 =	sld [smem:$0x3FFE];
	_ =	sdelay $0x1  }
0x8a: {  	s1 =	srdreg.scid  }
0x8b: {  	s0 =	sand.u32 $0x1, s1  }
0x8c: {  	s17 =	sshll.u32 s0, $0xA;
	s2 =	sadd.s32 s3, s2  }
0x8d: {  	s2 =	sadd.s32 s2, s17  }
0x8e: {  	[smem:$0x3FC4] =	sst s2  }
0x8f: {  	_ = 	snop  }
0x90: {  	s2 =	sld [smem:$0x3FD0];
	(tm) =	ssettm $0x1  }
0x91: {  	s18 =	sld [smem:$0x3FFB];
	_ =	sdelay $0x3  }
0x92: {  	_ =	strace s18  }
0x93: {  	s3 =	sld [smem:$0x3FFC];
	_ =	sdelay $0x3  }
0x94: {  	_ =	strace s3  }
0x95: {  	s3 =	sld [smem:$0x3FFD];
	_ =	sdelay $0x3  }
0x96: {  	_ =	strace s3  }
0x97: {  	_ =	strace $0x8FFFFFFF  }
0x98: {  	s19 =	sld [smem:$0x3FDB];
	_ =	sdelay $0x1  }
0x99: {  	s4 =	simm.s32 $_scs_section_size  }
0x9a: {  	s5 =	simm.s32 $_size__tile_overlayer_lowered;
	s6 =	simm.s32 $_tile_overlayer_lowered  }
0x9b: {  	s22 =	simm.s32 $0x1BFF;
	s21 =	sshll.u32 s6, $0x1;
	s3 =	sadd.s32 s4, s19  }
0x9c: {  	s7 =	simm.s32 $0x0;
	s20 =	sshll.u32 s5, $0x1;
	s5 =	sadd.s32 s21, s3  }
0x9d: {  	[timem:s7], [sflag:s22] =	dma.local [hbm:s5], s20  }
0x9e: {  	_ =	swait.ge [sflag:s22], s20  }
0x9f: {  	s4 =	ssub.s32 $0x0, s20;
	[sflag:s22] =	ssyncset.done $0x0  }
0xa0: {  	[sflag:s22] =	ssyncadd.s32 s4;
	_ =	sdelay $0x1  }
0xa1: {  	s23 =	simm.s32 $0x1B8B  }
0xa2: {  	_ =	swait.ge [sflag:s23], $0x1  }
0xa3: {  	[sflag:s23] =	ssyncset.done $0x0  }
0xa4: {  	s25 =	simm.s32 $0x1B8E;
	s24 =	sld [smem:$0x3FFE];
	[sflag:s23] =	ssyncadd.s32 $0xFFFFFFFF  }
0xa5: {  	s26 =	simm.s32 $execute0_lowered;
	[smem:$0x3FD2] =	sst s25  }
0xa6: {  	s5 =	sshll.u32 s26, $0x1;
	_ =	strace $0x80000046;
	[dreg:$0x1] =	wrdreg $0xFFFFFFFF  }
0xa7: {  	s28 =	simm.s32 $_size_execute0_lowered;
	s3 =	sadd.s32 s3, s5;
	[dreg:$0x0] =	wrdreg $0x0  }
0xa8: {  	s5 =	sshll.u32 s28, $0x1;
	[dreg:$0x2] =	wrdreg s3  }
0xa9: {  	[dreg:$0x3] =	wrdreg s5  }
0xaa: {  	[dreg:$0x4] =	wrdreg $0xC0  }
0xab: {  	_ =	task [dreg:s7], $0x5FFFF  }
0xac: {  	[dreg:$0x1] =	wrdreg $0xFFFFFFFF  }
0xad: {  	[dreg:$0x0] =	wrdreg $0x60  }
0xae: {  	[dreg:$0x2] =	wrdreg s24  }
0xaf: {  	[dreg:$0x3] =	wrdreg s2  }
0xb0: {  	[dreg:$0x4] =	wrdreg $0x9  }
0xb1: {  	_ =	task.clear_ibuf [dreg:s7], $0x5FFFF;
	_ =	strace $0x90000046  }
0xb2: {  	s29 =	simm.s32 $0x9;
	_ =	strace $0x80000048  }
0xb3: {  	_ =	swait.ge [sflag:s29], $0x1  }
0xb4: {  	[sflag:s29] =	ssyncadd.s32 $0xFFFFFFFF  }
0xb5: {  	_ =	strace $0x90000048  }
0xb6: {  	_ =	sfence  }
0xb7: {  	s30 =	sld [smem:$0x0];
	_ =	sdelay $0x2  }
0xb8: {  	s31 =	sshll.u32 s1, $0xD;
	s1 =	sshrl.u32 s1, $0x2  }
0xb9: {  	s3 =	sand.u32 $0x4000, s31;
	s1 =	sadd.s32 s1, s30  }
0xba: {  	s0 =	sor.u32 s3, s0;
	s1 =	sshll.u32 s1, $0x11  }
0xbb: {  	s0 =	sor.u32 s1, s0  }
0xbc: {  	s0 =	sadd.s32 $0x8F2B, s0  }
0xbd: {  	[sflag:s0] =	ssyncadd.remote.s32 $0x1  }
0xbe: {  	_ =	sfence.sel $0xFFFF  }
0xbf: {  	[dreg:$0x0] =	wrdreg $0xFFFFFFFF;
	(pc) =	sbr.abs _section_cstart, $3  }
0xc0: {  	[dreg:$0x1] =	wrdreg $0xFFFFFFFF  }
0xc1: {  	_ =	task.clear_ibuf [dreg:s7], $0x2FFFF;
	_ =	strace $0x9FFFFFFF  }
0xc2: {  	(tm) =	ssettm $0x7FFFFFFF  }
0xc3: {  	_ =	shalt  }
tec
execute0_lowered:
.L_overlay_start_1:
0x0: {  	(tag) =	ssettag $0x1  }
0x1: {  	s1 =	stileid.u32  }
0x2: {  	p0 =	sgt.u32 s1, $0x7  }
.Ltmp0:
0x3: {  	_ = 	snop;
	(pc) =	sbr.rel @p0 .LBB2_4-.Ltmp0, $4  }
0x4: {  	s6 =	rddreg [dreg:$0x0]  }
0x5: {  	s3 =	rddreg [dreg:$0x1];
	s2 =	simm.s32 $0x0  }
0x6: {  	[smem:$0x7FF] =	sst s2  }
0x7: {  	s0 =	rddreg [dreg:$0x2];
	_ =	strace $0x80000047  }
0x8: {  	s4 =	srdreg.scid  }
0x9: {  	s7 =	sadd.s32 $0x80C00, s6;
	s23 =	sshll.u32 s1, $0x1;
	s5 =	sand.u32 $0x1, s4  }
0xa: {  	[dreg:$0x3] =	wrdreg s7;
	s4 =	sor.u32 s5, s23  }
0xb: {  	s24 =	sadd.s32 $0xC00, s6;
	s8 =	rddreg [dreg:$0x3];
	s25 =	sshll.u32 s4, $0x4  }
0xc: {  	[tilespmem:s2], [sflag:$0x1] =	stream.linear.gather [hbm4b:s8+s2], $0x80, $0x38;
	[tilespmem:$0x100] =	vst v63  }
0xd: {  	[dreg:$0x4] =	wrdreg s24;
	s3 =	sadd.s32 s3, s25  }
0xe: {  	[dreg:$0x5] =	wrdreg s3;
	s3 =	simm.s32 $0x1  }
0xf: {  	_ =	swait.ge [sflag:s3], $0x80  }
0x10: {  	[sflag:s3] =	ssyncset.done $0x0  }
0x11: {  	[sflag:s3] =	ssyncadd.s32 $0xFFFFFF80  }
0x12: {  	v0 =	vld [tilespmem:$0x0];
	_ =	sdelay $0x4  }
0x13: {  	(v2sf) =	vpush v0, $0x2  }
0x14: {  	(v2sf) =	vpush v0, $0x1  }
0x15: {  	(v2sf) =	vpush v0, $0x0  }
0x16: {  	(v2sf) =	vpush v0, $0x3;
	_ =	sdelay $0x1  }
0x17: {  	(v2sf) =	vpush v0, $0x4;
	_ =	sdelay $0x1  }
0x18: {  	(v2sf) =	vpush v0, $0x5  }
0x19: {  	(v2sf) =	vpush v0, $0x6;
	_ =	sdelay $0x1  }
0x1a: {  	(v2sf) =	vpush v0, $0x7;
	_ =	sdelay $0x1  }
0x1b: {  	p0 =	seq.s32 s4, $0x1;
	(v2sf) =	vpush v0, $0x8  }
0x1c: {  	s9 =	simm.s32 @!p0 $0x0  }
0x1d: {  	p1 =	seq.s32 s4, $0x2;
	s9 =	simm.s32 @p0 $0x1;
	(v2sf) =	vpush v0, $0x9  }
0x1e: {  	[smem:$0x7F4] =	sst s9;
	s9 =	simm.s32 @!p1 $0x0;
	s6 =	spop (v2sf)  }
0x1f: {  	s5 =	ssub.s32 $0x2, s5;
	s9 =	simm.s32 @p1 $0x1;
	(v2sf) =	vpush v0, $0xA;
	s7 =	spop (v2sf)  }
0x20: {  	p4 =	seq.s32 s4, $0xC;
	[smem:$0x7F5] =	sst s9;
	s8 =	spop (v2sf)  }
0x21: {  	(v2sf) =	vpush v0, $0xB;
	s8 =	smov.u32 @p0 s7;
	p0 =	seq.s32 s4, $0x3;
	s7 =	spop (v2sf)  }
0x22: {  	s8 =	smov.u32 @p1 s6;
	p1 =	seq.s32 s4, $0x4;
	s9 =	simm.s32 @!p0 $0x0  }
0x23: {  	(v2sf) =	vpush v0, $0xC;
	s6 =	spop (v2sf);
	s9 =	simm.s32 @p0 $0x1;
	s8 =	smov.u32 @p0 s7  }
0x24: {  	(v2sf) =	vpush v0, $0xD;
	p0 =	seq.s32 s4, $0x5;
	[smem:$0x7F6] =	sst s9;
	s9 =	simm.s32 @!p1 $0x0  }
0x25: {  	(v2sf) =	vpush v0, $0xE;
	s7 =	spop (v2sf);
	s8 =	smov.u32 @p1 s6;
	s9 =	simm.s32 @p1 $0x1  }
0x26: {  	(v2sf) =	vpush v0, $0xF;
	s6 =	spop (v2sf);
	[smem:$0x7F7] =	sst s9;
	s9 =	simm.s32 @!p0 $0x0  }
0x27: {  	p1 =	seq.s32 s4, $0x6;
	s8 =	smov.u32 @p0 s7;
	s9 =	simm.s32 @p0 $0x1  }
0x28: {  	s7 =	spop (v2sf);
	[smem:$0x7F8] =	sst s9;
	s9 =	simm.s32 @!p1 $0x0  }
0x29: {  	s8 =	smov.u32 @p1 s6;
	p0 =	seq.s32 s4, $0x7;
	s9 =	simm.s32 @p1 $0x1  }
0x2a: {  	s6 =	spop (v2sf);
	[smem:$0x7F9] =	sst s9;
	s9 =	simm.s32 @!p0 $0x0  }
0x2b: {  	s8 =	smov.u32 @p0 s7;
	s9 =	simm.s32 @p0 $0x1;
	p0 =	seq.s32 s4, $0x8  }
0x2c: {  	s7 =	spop (v2sf);
	[smem:$0x7FA] =	sst s9;
	s9 =	simm.s32 @!p0 $0x0  }
0x2d: {  	s8 =	smov.u32 @p0 s6;
	s9 =	simm.s32 @p0 $0x1;
	p0 =	seq.s32 s4, $0x9  }
0x2e: {  	s6 =	spop (v2sf);
	[smem:$0x7FB] =	sst s9;
	s9 =	simm.s32 @!p0 $0x0  }
0x2f: {  	s8 =	smov.u32 @p0 s7;
	s9 =	simm.s32 @p0 $0x1;
	p0 =	seq.s32 s4, $0xA  }
0x30: {  	s7 =	spop (v2sf);
	[smem:$0x7FC] =	sst s9;
	s9 =	simm.s32 @!p0 $0x0  }
0x31: {  	s8 =	smov.u32 @p0 s6;
	s9 =	simm.s32 @p0 $0x1;
	p0 =	seq.s32 s4, $0xB  }
0x32: {  	p5 =	seq.s32 s4, $0xD;
	s6 =	spop (v2sf);
	s8 =	smov.u32 @p0 s7  }
0x33: {  	p6 =	seq.s32 s4, $0xE;
	s7 =	spop (v2sf);
	s8 =	smov.u32 @p4 s6  }
0x34: {  	p3 =	por p0, p0;
	s6 =	spop (v2sf);
	s8 =	smov.u32 @p5 s7  }
0x35: {  	p0 =	seq.s32 s4, $0xF;
	s7 =	spop (v2sf);
	s8 =	smov.u32 @p6 s6  }
0x36: {  	s30 =	sshrl.u32 s5, $0x1;
	s8 =	smov.u32 @p0 s7  }
0x37: {  	s5 =	ssub.s32 s5, s30;
	s28 =	sshll.u32 s8, $0x4  }
0x38: {  	s5 =	smax.u32 s5, $0x1;
	s26 =	rddreg [dreg:$0x4];
	s29 =	sand.u32 $0x1FFFFFF0, s28  }
0x39: {  	p1 =	sne.s32 s5, $0x1;
	s4 =	simm.s32 $0x80;
	s6 =	sadd.s32 s26, s29  }
0x3a: {  	[tilespmem:s4], [sflag:$0x1] =	stream.linear.gather [hbm4b:s6+s2], $0x80, $0x38;
	[tilespmem:$0x100] =	vst v63  }
.Ltmp1:
0x3b: {  	[smem:$0x7FD] =	sst s9;
	(pc) =	sbr.rel @!p1 .LBB2_3-.Ltmp1, $4  }
0x3c: {  	_ =	swait.ge [sflag:s3], $0x80  }
0x3d: {  	[sflag:s3] =	ssyncset.done $0x0  }
0x3e: {  	s5 =	sadd.s32 $0xFFFFFFFF, s5;
	s31 =	rddreg [dreg:$0x5];
	[sflag:s3] =	ssyncadd.s32 $0xFFFFFF80  }
0x3f: {  	[hbm4b:s31+s2] =	stream.linear.scatter [tilespmem:s4], [sflag:$0x1], $0x80, $0x38;
	[tilespmem:$0x100] =	vst v63  }
.LBB2_2:
0x40: {  	_ =	swait.ge [sflag:s3], $0x80  }
0x41: {  	[sflag:s3] =	ssyncset.done $0x0  }
0x42: {  	s6 =	rddreg [dreg:$0x3];
	[sflag:s3] =	ssyncadd.s32 $0xFFFFFF80  }
0x43: {  	[tilespmem:s2], [sflag:$0x1] =	stream.linear.gather [hbm4b:s6+s2], $0x80, $0x38;
	[tilespmem:$0x100] =	vst v63  }
0x44: {  	_ =	swait.ge [sflag:s3], $0x80  }
0x45: {  	[sflag:s3] =	ssyncset.done $0x0  }
0x46: {  	[sflag:s3] =	ssyncadd.s32 $0xFFFFFF80  }
0x47: {  	v0 =	vld [tilespmem:$0x0];
	_ =	sdelay $0x4  }
0x48: {  	(v2sf) =	vpush v0, $0x2  }
0x49: {  	(v2sf) =	vpush v0, $0x1  }
0x4a: {  	(v2sf) =	vpush v0, $0x0;
	_ =	sdelay $0x1  }
0x4b: {  	(v2sf) =	vpush v0, $0x3  }
0x4c: {  	(v2sf) =	vpush v0, $0x4  }
0x4d: {  	(v2sf) =	vpush v0, $0x5  }
0x4e: {  	(v2sf) =	vpush v0, $0x6  }
0x4f: {  	(v2sf) =	vpush v0, $0x7  }
0x50: {  	s9 =	sld [smem:$0x7F4];
	(v2sf) =	vpush v0, $0x8  }
0x51: {  	s20 =	sld [smem:$0x7F5];
	(v2sf) =	vpush v0, $0x9  }
0x52: {  	s21 =	sld [smem:$0x7F6];
	(v2sf) =	vpush v0, $0xA  }
0x53: {  	s22 =	sld [smem:$0x7F7];
	(v2sf) =	vpush v0, $0xB  }
0x54: {  	s23 =	sld [smem:$0x7F8];
	(v2sf) =	vpush v0, $0xC  }
0x55: {  	s24 =	sld [smem:$0x7F9];
	(v2sf) =	vpush v0, $0xD  }
0x56: {  	s25 =	sld [smem:$0x7FA];
	(v2sf) =	vpush v0, $0xE;
	s6 =	spop (v2sf)  }
0x57: {  	s26 =	sld [smem:$0x7FB];
	(v2sf) =	vpush v0, $0xF;
	s7 =	spop (v2sf)  }
0x58: {  	s28 =	sld [smem:$0x7FC];
	p2 =	seq.s32 s9, $0x1;
	s8 =	spop (v2sf)  }
0x59: {  	s29 =	sld [smem:$0x7FD];
	s8 =	smov.u32 @p2 s7;
	p2 =	seq.s32 s20, $0x1  }
0x5a: {  	s7 =	spop (v2sf);
	s8 =	smov.u32 @p2 s6;
	p2 =	seq.s32 s21, $0x1  }
0x5b: {  	s6 =	spop (v2sf);
	s8 =	smov.u32 @p2 s7;
	p2 =	seq.s32 s22, $0x1  }
0x5c: {  	s7 =	spop (v2sf);
	s8 =	smov.u32 @p2 s6;
	p2 =	seq.s32 s23, $0x1  }
0x5d: {  	s6 =	spop (v2sf);
	s8 =	smov.u32 @p2 s7;
	p2 =	seq.s32 s24, $0x1  }
0x5e: {  	s7 =	spop (v2sf);
	s8 =	smov.u32 @p2 s6;
	p2 =	seq.s32 s25, $0x1  }
0x5f: {  	s6 =	spop (v2sf);
	s8 =	smov.u32 @p2 s7;
	p2 =	seq.s32 s26, $0x1  }
0x60: {  	s7 =	spop (v2sf);
	s8 =	smov.u32 @p2 s6;
	p2 =	seq.s32 s28, $0x1  }
0x61: {  	s6 =	spop (v2sf);
	s8 =	smov.u32 @p2 s7;
	p2 =	seq.s32 s29, $0x1  }
0x62: {  	s7 =	spop (v2sf);
	s8 =	smov.u32 @p2 s6  }
0x63: {  	s6 =	spop (v2sf);
	s8 =	smov.u32 @p3 s7  }
0x64: {  	s7 =	spop (v2sf);
	s8 =	smov.u32 @p4 s6  }
0x65: {  	s6 =	spop (v2sf);
	s8 =	smov.u32 @p5 s7  }
0x66: {  	s7 =	spop (v2sf);
	s8 =	smov.u32 @p6 s6  }
0x67: {  	s8 =	smov.u32 @p0 s7  }
0x68: {  	s7 =	sshll.u32 s8, $0x4  }
0x69: {  	s30 =	rddreg [dreg:$0x4];
	s7 =	sand.u32 $0x1FFFFFF0, s7  }
0x6a: {  	p1 =	sne.s32 s5, $0x1;
	s6 =	sadd.s32 s30, s7  }
0x6b: {  	[tilespmem:s4], [sflag:$0x1] =	stream.linear.gather [hbm4b:s6+s2], $0x80, $0x38;
	[tilespmem:$0x100] =	vst v63  }
.Ltmp2:
0x6c: {  	_ = 	snop;
	(pc) =	sbr.rel @p1 .LBB2_2-.Ltmp2, $4  }
0x6d: {  	_ =	swait.ge [sflag:s3], $0x80  }
0x6e: {  	[sflag:s3] =	ssyncset.done $0x0  }
0x6f: {  	s5 =	sadd.s32 $0xFFFFFFFF, s5;
	s31 =	rddreg [dreg:$0x5];
	[sflag:s3] =	ssyncadd.s32 $0xFFFFFF80  }
0x70: {  	[hbm4b:s31+s2] =	stream.linear.scatter [tilespmem:s4], [sflag:$0x1], $0x80, $0x38;
	[tilespmem:$0x100] =	vst v63  }
.LBB2_3:
0x71: {  	_ =	swait.ge [sflag:s3], $0x80  }
0x72: {  	[sflag:s3] =	ssyncset.done $0x0  }
0x73: {  	[sflag:s3] =	ssyncadd.s32 $0xFFFFFF80  }
.LBB2_4:
0x74: {  	_ =	sfence.sel $0x180000  }
0x75: {  	[bflag:$0x0] =	sbarrier.arrive $0xFFFF  }
0x76: {  	p0 =	sne.s32 s1, $0x0;
	_ =	strace $0x90000047  }
0x77: {  	s0 =	sadd.s32 @!p0 $0x100000, s0;
	[bflag:$0x2] =	sbarrier.arrive $0xFFFF  }
0x78: {  	[sflag:s0] =	ssyncadd.tile.s32 @!p0 $0x1;
	_ =	shalt  }
.Lfunc_end2:
_tile_overlayer_lowered:
.L_overlay_start_2:
0x79: {  	(tag) =	ssettag $0x2  }
0x7a: {  	s0 =	rddreg [dreg:$0x0];
	s2 =	stileid.u32  }
0x7b: {  	s1 =	rddreg [dreg:$0x1];
	p0 =	sne.s32 s2, $0x0  }
0x7c: {  	s3 =	rddreg [dreg:$0x2];
	[bflag:$0x3] =	sbarrier.arrive $0xFFFF;
	s2 =	simm.s32 @!p0 $0x1C01  }
0x7d: {  	[timem:s3], [sflag:s2] =	dma.local @!p0 [hbm:s0], s1  }
0x7e: {  	s0 =	simm.s32 @!p0 $0x1  }
0x7f: {  	_ =	swait.ge @!p0 [sflag:s0], s1  }
0x80: {  	s1 =	ssub.s32 @!p0 $0x0, s1;
	[sflag:s0] =	ssyncset.done @!p0 $0x0  }
0x81: {  	[sflag:s0] =	ssyncadd.s32 @!p0 s1  }
0x82: {  	[bflag:$0x3] =	sbarrier.arrive $0xFFFF  }
0x83: {  	_ =	shalt  }

</sc_bundles>
